<compile_context>
chip_gen: v7x
topology: tpu7x:2x2x1
jax: 0.10.2.dev20260603
libtpu: 0.0.44.dev20260713+nightly
codegen_flags: <defaults>
</compile_context>

<pallas_src>
import jax
import jax.numpy as jnp
from jax.experimental import pallas as pl

N_PTS = 50000
N_PAD = 50048
WCOLS = N_PAD // 8
N2 = 51200
N_BALLS = 1024
K_NBR = 64
SLOTS = 72
RADIUS = 0.2


def _fps_body(x_ref, y_ref, z_ref, l_ref, cent_ref):
    X = x_ref[...]
    Y = y_ref[...]
    Z = z_ref[...]
    iota = jax.lax.broadcasted_iota(jnp.int32, (8, WCOLS), 0) * WCOLS + \
        jax.lax.broadcasted_iota(jnp.int32, (8, WCOLS), 1)
    valid = iota < N_PTS
    lane32 = jax.lax.broadcasted_iota(jnp.int32, (1, 32), 1)

    def extract(n):
        row = l_ref[pl.ds(n // 8, 1), :]
        q4 = (n % 8) * 4
        cx = jnp.sum(jnp.where(lane32 == q4, row, 0.0))
        cy = jnp.sum(jnp.where(lane32 == q4 + 1, row, 0.0))
        cz = jnp.sum(jnp.where(lane32 == q4 + 2, row, 0.0))
        return cx, cy, cz

    def dist_to(cx, cy, cz):
        dx = X - cx
        dy = Y - cy
        dz = Z - cz
        return dx * dx + dy * dy + dz * dz

    cx0, cy0, cz0 = extract(jnp.int32(0))
    cent_ref[pl.ds(0, 1), :] = jnp.stack(
        [cx0, cy0, cz0, jnp.float32(0.0)])[None, :]
    mind0 = jnp.where(valid, dist_to(cx0, cy0, cz0), -jnp.inf)

    def body(i, mind):
        m = jnp.max(mind)
        nsel = jnp.min(jnp.where(mind == m, iota, jnp.int32(2**30)))
        cx, cy, cz = extract(nsel)
        cent_ref[pl.ds(i, 1), :] = jnp.stack(
            [cx, cy, cz, jnp.float32(0.0)])[None, :]
        return jnp.minimum(mind, dist_to(cx, cy, cz))

    jax.lax.fori_loop(1, N_BALLS, body, mind0, unroll=False)


def _fps(vertices):
    v = jnp.pad(vertices, ((0, N_PAD - N_PTS), (0, 0)))
    xw = v[:, 0].reshape(8, WCOLS)
    yw = v[:, 1].reshape(8, WCOLS)
    zw = v[:, 2].reshape(8, WCOLS)
    l = jnp.pad(v, ((0, 0), (0, 1))).reshape(N_PAD // 8, 32)
    cent = pl.pallas_call(
        _fps_body,
        out_shape=jax.ShapeDtypeStruct((N_BALLS, 4), jnp.float32),
    )(xw, yw, zw, l)
    return cent[:, :3]


def _dist_body(cent_ref, v8_ref, sq_ref, d_ref):
    a = jnp.dot(cent_ref[...], v8_ref[...], preferred_element_type=jnp.float32)
    sq = sq_ref[...]
    d_ref[...] = jnp.sqrt(jnp.abs((sq - 2.0 * a) + sq))


def _dist(cent8, v8, sqp):
    blk = 128
    grid = N_BALLS // blk
    return pl.pallas_call(
        _dist_body,
        grid=(grid,),
        in_specs=[
            pl.BlockSpec((blk, 8), lambda i: (i, 0)),
            pl.BlockSpec((8, N2), lambda i: (0, 0)),
            pl.BlockSpec((1, N2), lambda i: (0, 0)),
        ],
        out_specs=pl.BlockSpec((blk, N2), lambda i: (i, 0)),
        out_shape=jax.ShapeDtypeStruct((N_BALLS, N2), jnp.float32),
    )(cent8, v8, sqp)


def _mlp_body(f_ref, msk_ref, w1_ref, b1_ref, w2_ref, b2_ref, w3_ref, b3_ref,
              o_ref):
    f = f_ref[...]
    h = jnp.dot(f, w1_ref[...], preferred_element_type=jnp.float32)
    h = jnp.maximum(h + b1_ref[...], 0.0)
    h = jnp.dot(h, w2_ref[...], preferred_element_type=jnp.float32)
    h = h + b2_ref[...]
    rows = msk_ref.shape[0]
    h = h.reshape(rows, SLOTS, 64) + msk_ref[...][:, :, None]
    agg = jnp.max(h, axis=1)
    o = jnp.dot(agg, w3_ref[...], preferred_element_type=jnp.float32)
    o_ref[...] = o + b3_ref[...]


def _mlp(f2, msk, w1p, b1, w2, b2, w3, b3):
    blk = 128
    grid = N_BALLS // blk
    return pl.pallas_call(
        _mlp_body,
        grid=(grid,),
        in_specs=[
            pl.BlockSpec((blk * SLOTS, 8), lambda i: (i, 0)),
            pl.BlockSpec((blk, SLOTS), lambda i: (i, 0)),
            pl.BlockSpec((8, 64), lambda i: (0, 0)),
            pl.BlockSpec((1, 64), lambda i: (0, 0)),
            pl.BlockSpec((64, 64), lambda i: (0, 0)),
            pl.BlockSpec((1, 64), lambda i: (0, 0)),
            pl.BlockSpec((64, 128), lambda i: (0, 0)),
            pl.BlockSpec((1, 128), lambda i: (0, 0)),
        ],
        out_specs=pl.BlockSpec((blk, 128), lambda i: (i, 0)),
        out_shape=jax.ShapeDtypeStruct((N_BALLS, 128), jnp.float32),
    )(f2, msk, w1p, b1, w2, b2, w3, b3)


def kernel(vertices, W1, b1, W2, b2, W3, b3):
    cent = _fps(vertices)

    sq = jnp.einsum('ij,ij->i', vertices, vertices)
    dist = jnp.sqrt(jnp.abs(sq[None, :] - 2.0 * (cent @ vertices.T) + sq[None, :]))

    neg_vals, nidx = jax.lax.top_k(-dist, K_NBR + 1)
    nd = -neg_vals
    limit = jnp.minimum(nd[:, K_NBR], jnp.float32(RADIUS))
    mask = nd <= limit[:, None]

    neigh = vertices[nidx]
    rel = neigh - cent[:, None, :]
    feat = jnp.concatenate([neigh, rel], axis=-1)
    h = jax.nn.relu(feat @ W1 + b1) @ W2 + b2
    h = jnp.where(mask[..., None], h, -jnp.inf)
    agg = jnp.max(h, axis=1)
    return agg @ W3 + b3

# --- scband reference (transcript-rebuilt; emitter-appended) ---
"""Pipeline reference for scband-set-abstraction-63170378990116 (READ-ONLY COPY).

The authoritative reference and input builder live on the scoring server;
editing this copy changes nothing except your own understanding.
"""

import jax, jax.numpy as jnp
import numpy as np

N_BALLS = 1024
RADIUS = 0.2
K = 64  # max_amount_neighbors


def fps(vertices, n):
    # standard farthest point sampling, deterministic start at index 0
    mind = jnp.sum((vertices - vertices[0]) ** 2, axis=-1)
    idxs = jnp.zeros((n,), dtype=jnp.int32)

    def body(i, state):
        idxs, mind = state
        nxt = jnp.argmax(mind).astype(jnp.int32)
        idxs = idxs.at[i].set(nxt)
        d = jnp.sum((vertices - vertices[nxt]) ** 2, axis=-1)
        return idxs, jnp.minimum(mind, d)

    idxs, _ = jax.lax.fori_loop(1, n, body, (idxs, mind))
    return idxs


def setup_inputs(seed: int = 0) -> dict:
    key = jax.random.key(seed)
    ks = jax.random.split(key, 7)
    vertices = jax.random.normal(ks[0], (50000, 3), dtype=jnp.float32)
    # PointNetConv local_nn: MLP [6, 64, 64]; global_nn: MLP [64, 128]
    W1 = jax.random.normal(ks[1], (6, 64), dtype=jnp.float32) * 0.1
    b1 = jnp.zeros((64,), dtype=jnp.float32)
    W2 = jax.random.normal(ks[2], (64, 64), dtype=jnp.float32) * 0.1
    b2 = jnp.zeros((64,), dtype=jnp.float32)
    W3 = jax.random.normal(ks[3], (64, 128), dtype=jnp.float32) * 0.1
    b3 = jnp.zeros((128,), dtype=jnp.float32)
    return {"vertices": vertices, "W1": W1, "b1": b1, "W2": W2, "b2": b2, "W3": W3, "b3": b3}


def reference(vertices, W1, b1, W2, b2, W3, b3):
    cidx = fps(vertices, N_BALLS)
    cent = vertices[cidx]                                   # [n_balls, 3]
    sq = jnp.einsum('ij,ij->i', vertices, vertices)         # [N]
    # faithful to original broadcast: dist[i, j] = sqrt(|sq[j] - 2 c_i . v_j + sq[j]|)
    dist = jnp.sqrt(jnp.abs(sq[None, :] - 2.0 * (cent @ vertices.T) + sq[None, :]))  # [n_balls, N]
    # nearest K+1 points per centroid (mask below is always a subset of these)
    neg_vals, nidx = jax.lax.top_k(-dist, K + 1)
    nd = -neg_vals                                          # ascending dists [n_balls, K+1]
    limit = jnp.minimum(nd[:, K], jnp.float32(RADIUS))      # group_distance_limits
    mask = nd <= limit[:, None]                             # [n_balls, K+1]
    neigh = vertices[nidx]                                  # [n_balls, K+1, 3]
    rel = neigh - cent[:, None, :]                          # pos_j - pos_centroid
    feat = jnp.concatenate([neigh, rel], axis=-1)           # [n_balls, K+1, 6]
    # local_nn: Linear(6,64) + ReLU + Linear(64,64)
    h = jax.nn.relu(feat @ W1 + b1) @ W2 + b2               # [n_balls, K+1, 64]
    # max aggregation at centroid over in-range neighbors
    h = jnp.where(mask[..., None], h, -jnp.inf)
    agg = jnp.max(h, axis=1)                                # [n_balls, 64]
    # global_nn: Linear(64,128)
    out = agg @ W3 + b3                                     # [n_balls, 128]
    return out

if __name__ == "__main__":
    import jax
    _d = setup_inputs()
    print(jax.jit(kernel)(*tuple(_d.values())))

</pallas_src>

<mosaic_0001>
module attributes {stable_mosaic.version = 14 : i64} {
  func.func @_fps_body(%arg0: memref<8x6256xf32, #tpu.memory_space<vmem>>, %arg1: memref<8x6256xf32, #tpu.memory_space<vmem>>, %arg2: memref<8x6256xf32, #tpu.memory_space<vmem>>, %arg3: memref<6256x32xf32, #tpu.memory_space<vmem>>, %arg4: memref<1024x4xf32, #tpu.memory_space<vmem>>) attributes {dimension_semantics = [], scalar_prefetch = 0 : i64, scratch_operands = 0 : i64, tpu.core_type = #tpu.core_type<tc>} {
    %get3A = arith.constant 0 : index
    %get3A_0 = arith.constant 0 : index
    %get3A_1 = vector.load %arg0[%get3A, %get3A_0] : memref<8x6256xf32, #tpu.memory_space<vmem>>, vector<8x6256xf32>
    %get3A_2 = arith.constant 0 : index
    %get3A_3 = arith.constant 0 : index
    %get3A_4 = vector.load %arg1[%get3A_2, %get3A_3] : memref<8x6256xf32, #tpu.memory_space<vmem>>, vector<8x6256xf32>
    %get3A_5 = arith.constant 0 : index
    %get3A_6 = arith.constant 0 : index
    %get3A_7 = vector.load %arg2[%get3A_5, %get3A_6] : memref<8x6256xf32, #tpu.memory_space<vmem>>, vector<8x6256xf32>
    %iota3A = tpu.iota {dimensions = array<i32: 0>} : vector<8x6256xi32>
    %mul3A = arith.constant 6256 : i32
    %mul3A_8 = vector.broadcast %mul3A : i32 to vector<8x6256xi32>
    %mul3A_9 = arith.muli %iota3A, %mul3A_8 : vector<8x6256xi32>
    %iota3A_10 = tpu.iota {dimensions = array<i32: 1>} : vector<8x6256xi32>
    %add3A = arith.addi %mul3A_9, %iota3A_10 : vector<8x6256xi32>
    %lt3A = arith.constant 50000 : i32
    %lt3A_11 = vector.broadcast %lt3A : i32 to vector<8x6256xi32>
    %lt3A_12 = arith.cmpi slt, %add3A, %lt3A_11 : vector<8x6256xi32>
    %iota3A_13 = tpu.iota {dimensions = array<i32: 1>} : vector<1x32xi32>
    %jit3A = arith.constant 0 : i32
    %jit3A_14 = arith.constant 8 : i32
    %div3A = arith.divsi %jit3A, %jit3A_14 : i32
    %sign3A = arith.constant 0 : i32
    %sign3A_15 = arith.cmpi sgt, %jit3A, %sign3A : i32
    %sign3A_16 = arith.extui %sign3A_15 : i1 to i32
    %sign3A_17 = arith.constant 0 : i32
    %sign3A_18 = arith.cmpi slt, %jit3A, %sign3A_17 : i32
    %sign3A_19 = arith.extui %sign3A_18 : i1 to i32
    %sign3A_20 = arith.subi %sign3A_16, %sign3A_19 : i32
    %sign3A_21 = arith.constant 0 : i32
    %sign3A_22 = arith.cmpi sgt, %jit3A_14, %sign3A_21 : i32
    %sign3A_23 = arith.extui %sign3A_22 : i1 to i32
    %sign3A_24 = arith.constant 0 : i32
    %sign3A_25 = arith.cmpi slt, %jit3A_14, %sign3A_24 : i32
    %sign3A_26 = arith.extui %sign3A_25 : i1 to i32
    %sign3A_27 = arith.subi %sign3A_23, %sign3A_26 : i32
    %ne3A = arith.cmpi ne, %sign3A_20, %sign3A_27 : i32
    %rem3A = arith.remsi %jit3A, %jit3A_14 : i32
    %ne3A_28 = arith.constant 0 : i32
    %ne3A_29 = arith.cmpi ne, %rem3A, %ne3A_28 : i32
    %and3A = arith.andi %ne3A, %ne3A_29 : i1
    %sub3A = arith.constant 1 : i32
    %sub3A_30 = arith.subi %div3A, %sub3A : i32
    %select_n3A = arith.select %and3A, %sub3A_30, %div3A : i32
    %get3A_31 = arith.index_cast %select_n3A : i32 to index
    %get3A_32 = arith.constant 0 : index
    %get3A_33 = vector.load %arg3[%get3A_31, %get3A_32] : memref<6256x32xf32, #tpu.memory_space<vmem>>, vector<1x32xf32>
    %jit3A_34 = arith.constant 0 : i32
    %jit3A_35 = arith.constant 8 : i32
    %eq3A = arith.constant 0 : i32
    %eq3A_36 = arith.cmpi eq, %jit3A_35, %eq3A : i32
    %jit3A_37 = arith.constant 1 : i32
    %select_n3A_38 = arith.select %eq3A_36, %jit3A_37, %jit3A_35 : i32
    %rem3A_39 = arith.remsi %jit3A_34, %select_n3A_38 : i32
    %ne3A_40 = arith.constant 0 : i32
    %ne3A_41 = arith.cmpi ne, %rem3A_39, %ne3A_40 : i32
    %lt3A_42 = arith.constant 0 : i32
    %lt3A_43 = arith.cmpi slt, %rem3A_39, %lt3A_42 : i32
    %lt3A_44 = arith.constant 0 : i32
    %lt3A_45 = arith.cmpi slt, %select_n3A_38, %lt3A_44 : i32
    %ne3A_46 = arith.xori %lt3A_43, %lt3A_45 : i1
    %and3A_47 = arith.andi %ne3A_46, %ne3A_41 : i1
    %add3A_48 = arith.addi %rem3A_39, %select_n3A_38 : i32
    %select_n3A_49 = arith.select %and3A_47, %add3A_48, %rem3A_39 : i32
    %mul3A_50 = arith.constant 4 : i32
    %mul3A_51 = arith.muli %select_n3A_49, %mul3A_50 : i32
    %eq3A_52 = vector.broadcast %mul3A_51 : i32 to vector<1x32xi32>
    %eq3A_53 = arith.cmpi eq, %iota3A_13, %eq3A_52 : vector<1x32xi32>
    %jit3A_54 = arith.constant 0.000000e+00 : f32
    %broadcast_in_dim3A = vector.broadcast %jit3A_54 : f32 to vector<1x32xf32>
    %select_n3A_55 = arith.select %eq3A_53, %get3A_33, %broadcast_in_dim3A : vector<1x32xi1>, vector<1x32xf32>
    %reduce_sum3A = vector.shape_cast %select_n3A_55 : vector<1x32xf32> to vector<1x1x32xf32>
    %reduce_sum3A_56 = arith.constant dense<0.000000e+00> : vector<1xf32>
    %reduce_sum3A_57 = vector.multi_reduction <add>, %reduce_sum3A, %reduce_sum3A_56 [1, 2] : vector<1x1x32xf32> to vector<1xf32>
    %reduce_sum3A_58 = vector.shape_cast %reduce_sum3A_57 : vector<1xf32> to vector<1x1x1xf32>
    %reduce_sum3A_59 = vector.extract %reduce_sum3A_58[0, 0, 0] : f32 from vector<1x1x1xf32>
    %add3A_60 = arith.constant 1 : i32
    %add3A_61 = arith.addi %mul3A_51, %add3A_60 : i32
    %eq3A_62 = vector.broadcast %add3A_61 : i32 to vector<1x32xi32>
    %eq3A_63 = arith.cmpi eq, %iota3A_13, %eq3A_62 : vector<1x32xi32>
    %jit3A_64 = arith.constant 0.000000e+00 : f32
    %broadcast_in_dim3A_65 = vector.broadcast %jit3A_64 : f32 to vector<1x32xf32>
    %select_n3A_66 = arith.select %eq3A_63, %get3A_33, %broadcast_in_dim3A_65 : vector<1x32xi1>, vector<1x32xf32>
    %reduce_sum3A_67 = vector.shape_cast %select_n3A_66 : vector<1x32xf32> to vector<1x1x32xf32>
    %reduce_sum3A_68 = arith.constant dense<0.000000e+00> : vector<1xf32>
    %reduce_sum3A_69 = vector.multi_reduction <add>, %reduce_sum3A_67, %reduce_sum3A_68 [1, 2] : vector<1x1x32xf32> to vector<1xf32>
    %reduce_sum3A_70 = vector.shape_cast %reduce_sum3A_69 : vector<1xf32> to vector<1x1x1xf32>
    %reduce_sum3A_71 = vector.extract %reduce_sum3A_70[0, 0, 0] : f32 from vector<1x1x1xf32>
    %add3A_72 = arith.constant 2 : i32
    %add3A_73 = arith.addi %mul3A_51, %add3A_72 : i32
    %eq3A_74 = vector.broadcast %add3A_73 : i32 to vector<1x32xi32>
    %eq3A_75 = arith.cmpi eq, %iota3A_13, %eq3A_74 : vector<1x32xi32>
    %jit3A_76 = arith.constant 0.000000e+00 : f32
    %broadcast_in_dim3A_77 = vector.broadcast %jit3A_76 : f32 to vector<1x32xf32>
    %select_n3A_78 = arith.select %eq3A_75, %get3A_33, %broadcast_in_dim3A_77 : vector<1x32xi1>, vector<1x32xf32>
    %reduce_sum3A_79 = vector.shape_cast %select_n3A_78 : vector<1x32xf32> to vector<1x1x32xf32>
    %reduce_sum3A_80 = arith.constant dense<0.000000e+00> : vector<1xf32>
    %reduce_sum3A_81 = vector.multi_reduction <add>, %reduce_sum3A_79, %reduce_sum3A_80 [1, 2] : vector<1x1x32xf32> to vector<1xf32>
    %reduce_sum3A_82 = vector.shape_cast %reduce_sum3A_81 : vector<1xf32> to vector<1x1x1xf32>
    %reduce_sum3A_83 = vector.extract %reduce_sum3A_82[0, 0, 0] : f32 from vector<1x1x1xf32>
    %stack3A = arith.constant 0.000000e+00 : f32
    %stack3A_84 = vector.broadcast %reduce_sum3A_59 : f32 to vector<1xf32>
    %stack3A_85 = vector.broadcast %reduce_sum3A_71 : f32 to vector<1xf32>
    %stack3A_86 = vector.broadcast %reduce_sum3A_83 : f32 to vector<1xf32>
    %stack3A_87 = vector.broadcast %stack3A : f32 to vector<1xf32>
    %stack3A_88 = tpu.concatenate %stack3A_84, %stack3A_85, %stack3A_86, %stack3A_87 in 0 : vector<1xf32>, vector<1xf32>, vector<1xf32>, vector<1xf32> -> vector<4xf32>
    %broadcast_in_dim3A_89 = vector.shape_cast %stack3A_88 : vector<4xf32> to vector<1x4xf32>
    %swap3A = arith.constant 0 : index
    %swap3A_90 = arith.constant 0 : index
    %swap3A_91 = vector.load %arg4[%swap3A, %swap3A_90] : memref<1024x4xf32, #tpu.memory_space<vmem>>, vector<1x4xf32>
    tpu.vector_store %arg4[%swap3A, %swap3A_90], %broadcast_in_dim3A_89 {strides = array<i32>} : memref<1024x4xf32, #tpu.memory_space<vmem>>, vector<1x4xf32>,
    %sub3A_92 = vector.broadcast %reduce_sum3A_59 : f32 to vector<8x6256xf32>
    %sub3A_93 = arith.subf %get3A_1, %sub3A_92 : vector<8x6256xf32>
    %sub3A_94 = vector.broadcast %reduce_sum3A_71 : f32 to vector<8x6256xf32>
    %sub3A_95 = arith.subf %get3A_4, %sub3A_94 : vector<8x6256xf32>
    %sub3A_96 = vector.broadcast %reduce_sum3A_83 : f32 to vector<8x6256xf32>
    %sub3A_97 = arith.subf %get3A_7, %sub3A_96 : vector<8x6256xf32>
    %mul3A_98 = arith.mulf %sub3A_93, %sub3A_93 : vector<8x6256xf32>
    %mul3A_99 = arith.mulf %sub3A_95, %sub3A_95 : vector<8x6256xf32>
    %add3A_100 = arith.addf %mul3A_98, %mul3A_99 : vector<8x6256xf32>
    %mul3A_101 = arith.mulf %sub3A_97, %sub3A_97 : vector<8x6256xf32>
    %add3A_102 = arith.addf %add3A_100, %mul3A_101 : vector<8x6256xf32>
    %jit3A_103 = arith.constant 0xFF800000 : f32
    %broadcast_in_dim3A_104 = vector.broadcast %jit3A_103 : f32 to vector<8x6256xf32>
    %select_n3A_105 = arith.select %lt3A_12, %add3A_102, %broadcast_in_dim3A_104 : vector<8x6256xi1>, vector<8x6256xf32>
    %scan3A = arith.constant 1 : i32
    %scan3A_106 = arith.constant 1023 : i32
    %scan3A_107 = arith.addi %scan3A, %scan3A_106 : i32
    %scan3A_108 = arith.constant 1 : i32
    %scan3A_109 = scf.for %scan3A_111 = %scan3A to %scan3A_107 step %scan3A_108 iter_args(%scan3A_112 = %select_n3A_105) -> (vector<8x6256xf32>)  : i32 {
      %reduce_max3A = vector.shape_cast %scan3A_112 : vector<8x6256xf32> to vector<1x8x6256xf32>
      %reduce_max3A_113 = arith.constant dense<0xFF800000> : vector<1xf32>
      %reduce_max3A_114 = vector.multi_reduction <maximumf>, %reduce_max3A, %reduce_max3A_113 [1, 2] : vector<1x8x6256xf32> to vector<1xf32>
      %reduce_max3A_115 = vector.shape_cast %reduce_max3A_114 : vector<1xf32> to vector<1x1x1xf32>
      %reduce_max3A_116 = vector.extract %reduce_max3A_115[0, 0, 0] : f32 from vector<1x1x1xf32>
      %eq3A_117 = vector.broadcast %reduce_max3A_116 : f32 to vector<8x6256xf32>
      %eq3A_118 = arith.cmpf oeq, %scan3A_112, %eq3A_117 : vector<8x6256xf32>
      %jit3A_119 = arith.constant 1073741824 : i32
      %broadcast_in_dim3A_120 = vector.broadcast %jit3A_119 : i32 to vector<8x6256xi32>
      %select_n3A_121 = arith.select %eq3A_118, %add3A, %broadcast_in_dim3A_120 : vector<8x6256xi1>, vector<8x6256xi32>
      %reduce_min3A = vector.shape_cast %select_n3A_121 : vector<8x6256xi32> to vector<1x8x6256xi32>
      %reduce_min3A_122 = arith.constant dense<2147483647> : vector<1xi32>
      %reduce_min3A_123 = vector.multi_reduction <minsi>, %reduce_min3A, %reduce_min3A_122 [1, 2] : vector<1x8x6256xi32> to vector<1xi32>
      %reduce_min3A_124 = vector.shape_cast %reduce_min3A_123 : vector<1xi32> to vector<1x1x1xi32>
      %reduce_min3A_125 = vector.extract %reduce_min3A_124[0, 0, 0] : i32 from vector<1x1x1xi32>
      %jit3A_126 = arith.constant 8 : i32
      %div3A_127 = arith.divsi %reduce_min3A_125, %jit3A_126 : i32
      %sign3A_128 = arith.constant 0 : i32
      %sign3A_129 = arith.cmpi sgt, %reduce_min3A_125, %sign3A_128 : i32
      %sign3A_130 = arith.extui %sign3A_129 : i1 to i32
      %sign3A_131 = arith.constant 0 : i32
      %sign3A_132 = arith.cmpi slt, %reduce_min3A_125, %sign3A_131 : i32
      %sign3A_133 = arith.extui %sign3A_132 : i1 to i32
      %sign3A_134 = arith.subi %sign3A_130, %sign3A_133 : i32
      %sign3A_135 = arith.constant 0 : i32
      %sign3A_136 = arith.cmpi sgt, %jit3A_126, %sign3A_135 : i32
      %sign3A_137 = arith.extui %sign3A_136 : i1 to i32
      %sign3A_138 = arith.constant 0 : i32
      %sign3A_139 = arith.cmpi slt, %jit3A_126, %sign3A_138 : i32
      %sign3A_140 = arith.extui %sign3A_139 : i1 to i32
      %sign3A_141 = arith.subi %sign3A_137, %sign3A_140 : i32
      %ne3A_142 = arith.cmpi ne, %sign3A_134, %sign3A_141 : i32
      %rem3A_143 = arith.remsi %reduce_min3A_125, %jit3A_126 : i32
      %ne3A_144 = arith.constant 0 : i32
      %ne3A_145 = arith.cmpi ne, %rem3A_143, %ne3A_144 : i32
      %and3A_146 = arith.andi %ne3A_142, %ne3A_145 : i1
      %sub3A_147 = arith.constant 1 : i32
      %sub3A_148 = arith.subi %div3A_127, %sub3A_147 : i32
      %select_n3A_149 = arith.select %and3A_146, %sub3A_148, %div3A_127 : i32
      %get3A_150 = arith.index_cast %select_n3A_149 : i32 to index
      %get3A_151 = arith.constant 0 : index
      %get3A_152 = vector.load %arg3[%get3A_150, %get3A_151] : memref<6256x32xf32, #tpu.memory_space<vmem>>, vector<1x32xf32>
      %jit3A_153 = arith.constant 8 : i32
      %eq3A_154 = arith.constant 0 : i32
      %eq3A_155 = arith.cmpi eq, %jit3A_153, %eq3A_154 : i32
      %jit3A_156 = arith.constant 1 : i32
      %select_n3A_157 = arith.select %eq3A_155, %jit3A_156, %jit3A_153 : i32
      %rem3A_158 = arith.remsi %reduce_min3A_125, %select_n3A_157 : i32
      %ne3A_159 = arith.constant 0 : i32
      %ne3A_160 = arith.cmpi ne, %rem3A_158, %ne3A_159 : i32
      %lt3A_161 = arith.constant 0 : i32
      %lt3A_162 = arith.cmpi slt, %rem3A_158, %lt3A_161 : i32
      %lt3A_163 = arith.constant 0 : i32
      %lt3A_164 = arith.cmpi slt, %select_n3A_157, %lt3A_163 : i32
      %ne3A_165 = arith.xori %lt3A_162, %lt3A_164 : i1
      %and3A_166 = arith.andi %ne3A_165, %ne3A_160 : i1
      %add3A_167 = arith.addi %rem3A_158, %select_n3A_157 : i32
      %select_n3A_168 = arith.select %and3A_166, %add3A_167, %rem3A_158 : i32
      %mul3A_169 = arith.constant 4 : i32
      %mul3A_170 = arith.muli %select_n3A_168, %mul3A_169 : i32
      %eq3A_171 = vector.broadcast %mul3A_170 : i32 to vector<1x32xi32>
      %eq3A_172 = arith.cmpi eq, %iota3A_13, %eq3A_171 : vector<1x32xi32>
      %jit3A_173 = arith.constant 0.000000e+00 : f32
      %broadcast_in_dim3A_174 = vector.broadcast %jit3A_173 : f32 to vector<1x32xf32>
      %select_n3A_175 = arith.select %eq3A_172, %get3A_152, %broadcast_in_dim3A_174 : vector<1x32xi1>, vector<1x32xf32>
      %reduce_sum3A_176 = vector.shape_cast %select_n3A_175 : vector<1x32xf32> to vector<1x1x32xf32>
      %reduce_sum3A_177 = arith.constant dense<0.000000e+00> : vector<1xf32>
      %reduce_sum3A_178 = vector.multi_reduction <add>, %reduce_sum3A_176, %reduce_sum3A_177 [1, 2] : vector<1x1x32xf32> to vector<1xf32>
      %reduce_sum3A_179 = vector.shape_cast %reduce_sum3A_178 : vector<1xf32> to vector<1x1x1xf32>
      %reduce_sum3A_180 = vector.extract %reduce_sum3A_179[0, 0, 0] : f32 from vector<1x1x1xf32>
      %add3A_181 = arith.constant 1 : i32
      %add3A_182 = arith.addi %mul3A_170, %add3A_181 : i32
      %eq3A_183 = vector.broadcast %add3A_182 : i32 to vector<1x32xi32>
      %eq3A_184 = arith.cmpi eq, %iota3A_13, %eq3A_183 : vector<1x32xi32>
      %jit3A_185 = arith.constant 0.000000e+00 : f32
      %broadcast_in_dim3A_186 = vector.broadcast %jit3A_185 : f32 to vector<1x32xf32>
      %select_n3A_187 = arith.select %eq3A_184, %get3A_152, %broadcast_in_dim3A_186 : vector<1x32xi1>, vector<1x32xf32>
      %reduce_sum3A_188 = vector.shape_cast %select_n3A_187 : vector<1x32xf32> to vector<1x1x32xf32>
      %reduce_sum3A_189 = arith.constant dense<0.000000e+00> : vector<1xf32>
      %reduce_sum3A_190 = vector.multi_reduction <add>, %reduce_sum3A_188, %reduce_sum3A_189 [1, 2] : vector<1x1x32xf32> to vector<1xf32>
      %reduce_sum3A_191 = vector.shape_cast %reduce_sum3A_190 : vector<1xf32> to vector<1x1x1xf32>
      %reduce_sum3A_192 = vector.extract %reduce_sum3A_191[0, 0, 0] : f32 from vector<1x1x1xf32>
      %add3A_193 = arith.constant 2 : i32
      %add3A_194 = arith.addi %mul3A_170, %add3A_193 : i32
      %eq3A_195 = vector.broadcast %add3A_194 : i32 to vector<1x32xi32>
      %eq3A_196 = arith.cmpi eq, %iota3A_13, %eq3A_195 : vector<1x32xi32>
      %jit3A_197 = arith.constant 0.000000e+00 : f32
      %broadcast_in_dim3A_198 = vector.broadcast %jit3A_197 : f32 to vector<1x32xf32>
      %select_n3A_199 = arith.select %eq3A_196, %get3A_152, %broadcast_in_dim3A_198 : vector<1x32xi1>, vector<1x32xf32>
      %reduce_sum3A_200 = vector.shape_cast %select_n3A_199 : vector<1x32xf32> to vector<1x1x32xf32>
      %reduce_sum3A_201 = arith.constant dense<0.000000e+00> : vector<1xf32>
      %reduce_sum3A_202 = vector.multi_reduction <add>, %reduce_sum3A_200, %reduce_sum3A_201 [1, 2] : vector<1x1x32xf32> to vector<1xf32>
      %reduce_sum3A_203 = vector.shape_cast %reduce_sum3A_202 : vector<1xf32> to vector<1x1x1xf32>
      %reduce_sum3A_204 = vector.extract %reduce_sum3A_203[0, 0, 0] : f32 from vector<1x1x1xf32>
      %stack3A_205 = arith.constant 0.000000e+00 : f32
      %stack3A_206 = vector.broadcast %reduce_sum3A_180 : f32 to vector<1xf32>
      %stack3A_207 = vector.broadcast %reduce_sum3A_192 : f32 to vector<1xf32>
      %stack3A_208 = vector.broadcast %reduce_sum3A_204 : f32 to vector<1xf32>
      %stack3A_209 = vector.broadcast %stack3A_205 : f32 to vector<1xf32>
      %stack3A_210 = tpu.concatenate %stack3A_206, %stack3A_207, %stack3A_208, %stack3A_209 in 0 : vector<1xf32>, vector<1xf32>, vector<1xf32>, vector<1xf32> -> vector<4xf32>
      %broadcast_in_dim3A_211 = vector.shape_cast %stack3A_210 : vector<4xf32> to vector<1x4xf32>
      %swap3A_212 = arith.index_cast %scan3A_111 : i32 to index
      %swap3A_213 = arith.constant 0 : index
      %swap3A_214 = vector.load %arg4[%swap3A_212, %swap3A_213] : memref<1024x4xf32, #tpu.memory_space<vmem>>, vector<1x4xf32>
      tpu.vector_store %arg4[%swap3A_212, %swap3A_213], %broadcast_in_dim3A_211 {strides = array<i32>} : memref<1024x4xf32, #tpu.memory_space<vmem>>, vector<1x4xf32>,
      %sub3A_215 = vector.broadcast %reduce_sum3A_180 : f32 to vector<8x6256xf32>
      %sub3A_216 = arith.subf %get3A_1, %sub3A_215 : vector<8x6256xf32>
      %sub3A_217 = vector.broadcast %reduce_sum3A_192 : f32 to vector<8x6256xf32>
      %sub3A_218 = arith.subf %get3A_4, %sub3A_217 : vector<8x6256xf32>
      %sub3A_219 = vector.broadcast %reduce_sum3A_204 : f32 to vector<8x6256xf32>
      %sub3A_220 = arith.subf %get3A_7, %sub3A_219 : vector<8x6256xf32>
      %mul3A_221 = arith.mulf %sub3A_216, %sub3A_216 : vector<8x6256xf32>
      %mul3A_222 = arith.mulf %sub3A_218, %sub3A_218 : vector<8x6256xf32>
      %add3A_223 = arith.addf %mul3A_221, %mul3A_222 : vector<8x6256xf32>
      %mul3A_224 = arith.mulf %sub3A_220, %sub3A_220 : vector<8x6256xf32>
      %add3A_225 = arith.addf %add3A_223, %mul3A_224 : vector<8x6256xf32>
      %min3A = arith.minimumf %scan3A_112, %add3A_225 : vector<8x6256xf32>
      scf.yield %min3A : vector<8x6256xf32>
    }
    %scan3A_110 = arith.constant 1023 : i32
    return
  }
}

</mosaic_0001>

<sc_bundles>
// kernel: gather_offload_async_start
scs
__scs_entry_jumppad:
0x0: {  	(pc) =	sbr.rel $0x88, $3  }
0x1: {  	(tag) =	ssettag $0x0;
	lr =	simm.s32 $0x1  }
0x2: {  	[smem:$0x3F9A] =	sst lr;
	_ =	strace $0xD0000000  }
0x3: {  	_ = 	snop  }
0x4: {  	_ = 	snop  }
0x5: {  	_ = 	snop  }
0x6: {  	_ = 	snop  }
0x7: {  	_ = 	snop  }
__scs_overlays_trampoline_lowered:
0x8: {  	[smem:$0x3FA9] =	sst s0  }
0x9: {  	[smem:$0x3FAA] =	sst s1  }
0xa: {  	[smem:$0x3FAB] =	sst s2  }
0xb: {  	[smem:$0x3FAC] =	sst s3  }
0xc: {  	[smem:$0x3FAD] =	sst s4  }
0xd: {  	[smem:$0x3FAE] =	sst s5  }
0xe: {  	[smem:$0x3FAF] =	sst s6  }
0xf: {  	[smem:$0x3FB0] =	sst s7  }
0x10: {  	[smem:$0x3FB1] =	sst s8  }
0x11: {  	[smem:$0x3FB2] =	sst s9;
	s0 =	simm.s32 @!p0 $0x0  }
0x12: {  	s1 =	sld [smem:$0x3F98];
	s0 =	simm.s32 @p0 $0x1  }
0x13: {  	[smem:$0x3FB3] =	sst s0;
	s0 =	simm.s32 @!p1 $0x0  }
0x14: {  	s2 =	sld [smem:$0x3F97];
	s0 =	simm.s32 @p1 $0x1  }
0x15: {  	[smem:$0x3FB4] =	sst s0;
	s0 =	simm.s32 @!p2 $0x0  }
0x16: {  	s3 =	sld [smem:$0x3FDB];
	s0 =	simm.s32 @p2 $0x1  }
0x17: {  	s4 =	simm.s32 $0x1BF5;
	[smem:$0x3FB6] =	sst s0  }
0x18: {  	s0 =	sld [smem:$0x3F99];
	_ =	swait.ge [sflag:s4], $0x0  }
0x19: {  	s7 =	sld [smem:$0x3F9A]  }
0x1a: {  	s8 =	sadd.s32 $0xFFFFE003, lr  }
0x1b: {  	s9 =	sadd.s32 $0xFFFFFEF7, lr;
	s5 =	simm.s32 $0xFFFFFFFF;
	p2 =	slt.u32 s8, $0xFFFFF086  }
0x1c: {  	p1 =	slt.u32 s9, $0xF7A;
	s5 =	simm.s32 @!p2 $0x0  }
0x1d: {  	s5 =	simm.s32 @p1 $0x1;
	p0 =	seq.s32 s7, s2  }
0x1e: {  	s7 =	smul.u32 @!p0 $0xF7A, s2;
	p2 =	seq.s32 @!p0 s5, $0x0  }
0x1f: {  	s9 =	smul.u32 $0xF7A, s1;
	s8 =	simm.s32 @!p0 $0x1BF5;
	p2 =	por !p2, p0  }
0x20: {  	[sflag:s8] =	ssyncset.s32 @!p0 $0xFFFFF086;
	s6 =	sadd.s32 @!p0 s3, s7;
	s7 =	simm.s32 @!p0 $0x108  }
0x21: {  	s3 =	sadd.s32 s3, s9;
	s6 =	sadd.s32 @!p0 $0x88, s6;
	s7 =	simm.s32 @p2 $0x1082  }
0x22: {  	[simem:s7], [sflag:s8] =	dma.local @!p0 [hbm:s6], $0xF7A  }
0x23: {  	s9 =	sor.u32 $0xD0000000, s2;
	s6 =	simm.s32 $0x108;
	_ =	swait.ge @!p0 [sflag:s8], $0x0  }
0x24: {  	s3 =	sadd.s32 $0x88, s3;
	s6 =	simm.s32 @!p1 $0x1082;
	[sflag:s4] =	ssyncset.s32 $0xFFFFF086  }
0x25: {  	[simem:s6], [sflag:s4] =	dma.local [hbm:s3], $0xF7A  }
0x26: {  	[smem:$0x3F9A] =	sst s1;
	(tag) =	ssettag s2;
	_ =	strace s9  }
0x27: {  	s1 =	sld [smem:$0x3FAA]  }
0x28: {  	s2 =	sld [smem:$0x3FAB]  }
0x29: {  	s4 =	sld [smem:$0x3FAD]  }
0x2a: {  	p0 =	seq.s32 s5, $0x0;
	s5 =	sld [smem:$0x3FAE]  }
0x2b: {  	s6 =	sld [smem:$0x3FAF]  }
0x2c: {  	s7 =	sld [smem:$0x3FB0]  }
0x2d: {  	s3 =	simm.s32 $0x108;
	s8 =	sld [smem:$0x3FB1]  }
0x2e: {  	s3 =	simm.s32 @!p0 $0x1082;
	s9 =	sld [smem:$0x3FB2]  }
0x2f: {  	lr =	sadd.s32 s0, s3;
	s0 =	sld [smem:$0x3FA9]  }
0x30: {  	s3 =	sld [smem:$0x3FAC]  }
0x31: {  	[smem:$0x3FB5] =	sst s10  }
0x32: {  	s10 =	sld [smem:$0x3FB3];
	_ =	sdelay $0x3  }
0x33: {  	p0 =	seq.s32 s10, $0x1;
	s10 =	sld [smem:$0x3FB5];
	_ =	sdelay $0x3  }
0x34: {  	[smem:$0x3FB5] =	sst s10  }
0x35: {  	s10 =	sld [smem:$0x3FB4];
	_ =	sdelay $0x3  }
0x36: {  	p1 =	seq.s32 s10, $0x1;
	s10 =	sld [smem:$0x3FB5];
	_ =	sdelay $0x3  }
0x37: {  	[smem:$0x3FB5] =	sst s10  }
0x38: {  	s10 =	sld [smem:$0x3FB6]  }
0x39: {  	_ = 	snop;
	(pc) =	sbr.ind lr, $3  }
0x3a: {  	_ = 	snop  }
0x3b: {  	_ = 	snop  }
0x3c: {  	p2 =	seq.s32 s10, $0x1;
	s10 =	sld [smem:$0x3FB5]  }
0x3d: {  	_ =	shalt  }
0x3e: {  	_ =	shalt  }
0x3f: {  	_ =	shalt  }
0x40: {  	_ =	shalt  }
0x41: {  	_ =	shalt  }
0x42: {  	_ =	shalt  }
0x43: {  	_ =	shalt  }
0x44: {  	_ =	shalt  }
0x45: {  	_ =	shalt  }
0x46: {  	_ =	shalt  }
0x47: {  	_ =	shalt  }
0x48: {  	_ =	shalt  }
0x49: {  	_ =	shalt  }
0x4a: {  	_ =	shalt  }
0x4b: {  	_ =	shalt  }
0x4c: {  	_ =	shalt  }
0x4d: {  	_ =	shalt  }
0x4e: {  	_ =	shalt  }
0x4f: {  	_ =	shalt  }
0x50: {  	_ =	shalt  }
0x51: {  	_ =	shalt  }
0x52: {  	_ =	shalt  }
0x53: {  	_ =	shalt  }
0x54: {  	_ =	shalt  }
0x55: {  	_ =	shalt  }
0x56: {  	_ =	shalt  }
0x57: {  	_ =	shalt  }
0x58: {  	_ =	shalt  }
0x59: {  	_ =	shalt  }
0x5a: {  	_ =	shalt  }
0x5b: {  	_ =	shalt  }
0x5c: {  	_ =	shalt  }
0x5d: {  	_ =	shalt  }
0x5e: {  	_ =	shalt  }
0x5f: {  	_ =	shalt  }
0x60: {  	_ =	shalt  }
0x61: {  	_ =	shalt  }
0x62: {  	_ =	shalt  }
0x63: {  	_ =	shalt  }
0x64: {  	_ =	shalt  }
0x65: {  	_ =	shalt  }
0x66: {  	_ =	shalt  }
0x67: {  	_ =	shalt  }
0x68: {  	_ =	shalt  }
0x69: {  	_ =	shalt  }
0x6a: {  	_ =	shalt  }
0x6b: {  	_ =	shalt  }
0x6c: {  	_ =	shalt  }
0x6d: {  	_ =	shalt  }
0x6e: {  	_ =	shalt  }
0x6f: {  	_ =	shalt  }
0x70: {  	_ =	shalt  }
0x71: {  	_ =	shalt  }
0x72: {  	_ =	shalt  }
0x73: {  	_ =	shalt  }
0x74: {  	_ =	shalt  }
0x75: {  	_ =	shalt  }
0x76: {  	_ =	shalt  }
0x77: {  	_ =	shalt  }
0x78: {  	_ =	shalt  }
0x79: {  	_ =	shalt  }
0x7a: {  	_ =	shalt  }
0x7b: {  	_ =	shalt  }
0x7c: {  	_ =	shalt  }
0x7d: {  	_ =	shalt  }
0x7e: {  	_ =	shalt  }
0x7f: {  	_ =	shalt  }
0x80: {  	_ =	shalt  }
0x81: {  	_ =	shalt  }
0x82: {  	_ =	shalt  }
0x83: {  	_ =	shalt  }
0x84: {  	_ =	shalt  }
0x85: {  	_ =	shalt  }
0x86: {  	_ =	shalt  }
0x87: {  	_ =	shalt  }
.Lfunc_end0:
.L_simem_size_0:
called_computation_lowered:
.L_overlay_start_0:
0x88: {  	s2 =	sld [smem:$0x3FD9]  }
0x89: {  	s3 =	sld [smem:$0x3FFE];
	_ =	sdelay $0x1  }
0x8a: {  	s1 =	srdreg.scid  }
0x8b: {  	s0 =	sand.u32 $0x1, s1  }
0x8c: {  	s16 =	sshll.u32 s0, $0xA;
	s2 =	sadd.s32 s3, s2  }
0x8d: {  	s2 =	sadd.s32 s2, s16  }
0x8e: {  	[smem:$0x3FC1] =	sst s2  }
0x8f: {  	_ = 	snop  }
0x90: {  	(tm) =	ssettm $0x1  }
0x91: {  	s17 =	sld [smem:$0x3FFB];
	_ =	sdelay $0x3  }
0x92: {  	_ =	strace s17  }
0x93: {  	s2 =	sld [smem:$0x3FFC];
	_ =	sdelay $0x3  }
0x94: {  	_ =	strace s2  }
0x95: {  	s2 =	sld [smem:$0x3FFD];
	_ =	sdelay $0x3  }
0x96: {  	_ =	strace s2  }
0x97: {  	_ =	strace $0x8FFFFFFF  }
0x98: {  	s18 =	sld [smem:$0x3FDB];
	_ =	sdelay $0x1  }
0x99: {  	s19 =	simm.s32 $_scs_section_size  }
0x9a: {  	s4 =	simm.s32 $_size__tile_overlayer_lowered;
	s5 =	simm.s32 $_tile_overlayer_lowered  }
0x9b: {  	s22 =	simm.s32 $0x1BFF;
	s21 =	sshll.u32 s5, $0x1;
	s2 =	sadd.s32 s19, s18  }
0x9c: {  	s6 =	simm.s32 $0x0;
	s20 =	sshll.u32 s4, $0x1;
	s4 =	sadd.s32 s21, s2  }
0x9d: {  	[timem:s6], [sflag:s22] =	dma.local [hbm:s4], s20  }
0x9e: {  	_ =	swait.ge [sflag:s22], s20  }
0x9f: {  	s3 =	ssub.s32 $0x0, s20;
	[sflag:s22] =	ssyncset.done $0x0  }
0xa0: {  	[sflag:s22] =	ssyncadd.s32 s3;
	_ =	sdelay $0x1  }
0xa1: {  	s23 =	simm.s32 $0x1B8B  }
0xa2: {  	_ =	swait.ge [sflag:s23], $0x1  }
0xa3: {  	[sflag:s23] =	ssyncset.done $0x0  }
0xa4: {  	s25 =	simm.s32 $0x1B8E;
	s24 =	sld [smem:$0x3FFE];
	[sflag:s23] =	ssyncadd.s32 $0xFFFFFFFF  }
0xa5: {  	s26 =	simm.s32 $execute0_lowered;
	[smem:$0x3FD2] =	sst s25  }
0xa6: {  	s4 =	sshll.u32 s26, $0x1;
	_ =	strace $0x80000046;
	[dreg:$0x1] =	wrdreg $0xFFFFFFFF  }
0xa7: {  	s28 =	simm.s32 $_size_execute0_lowered;
	s2 =	sadd.s32 s2, s4;
	[dreg:$0x0] =	wrdreg $0x0  }
0xa8: {  	s4 =	sshll.u32 s28, $0x1;
	[dreg:$0x2] =	wrdreg s2  }
0xa9: {  	[dreg:$0x3] =	wrdreg s4  }
0xaa: {  	[dreg:$0x4] =	wrdreg $0xC0  }
0xab: {  	_ =	task [dreg:s6], $0x5FFFF  }
0xac: {  	[dreg:$0x1] =	wrdreg $0xFFFFFFFF  }
0xad: {  	[dreg:$0x0] =	wrdreg $0x60  }
0xae: {  	[dreg:$0x2] =	wrdreg s24  }
0xaf: {  	[dreg:$0x3] =	wrdreg $0x9  }
0xb0: {  	_ =	task.clear_ibuf [dreg:s6], $0x4FFFF;
	_ =	strace $0x90000046  }
0xb1: {  	s29 =	simm.s32 $0x9;
	_ =	strace $0x80000048  }
0xb2: {  	_ =	swait.ge [sflag:s29], $0x1  }
0xb3: {  	[sflag:s29] =	ssyncadd.s32 $0xFFFFFFFF  }
0xb4: {  	_ =	strace $0x90000048  }
0xb5: {  	_ =	sfence  }
0xb6: {  	s30 =	sld [smem:$0x0];
	_ =	sdelay $0x2  }
0xb7: {  	s31 =	sshll.u32 s1, $0xD;
	s1 =	sshrl.u32 s1, $0x2  }
0xb8: {  	s3 =	sand.u32 $0x4000, s31;
	s1 =	sadd.s32 s1, s30  }
0xb9: {  	s0 =	sor.u32 s3, s0;
	s1 =	sshll.u32 s1, $0x11  }
0xba: {  	s0 =	sor.u32 s1, s0  }
0xbb: {  	s0 =	sadd.s32 $0x8F2B, s0  }
0xbc: {  	[sflag:s0] =	ssyncadd.remote.s32 $0x1  }
0xbd: {  	_ =	sfence.sel $0xFFFF  }
0xbe: {  	[dreg:$0x0] =	wrdreg $0xFFFFFFFF;
	(pc) =	sbr.abs _section_cstart, $3  }
0xbf: {  	[dreg:$0x1] =	wrdreg $0xFFFFFFFF  }
0xc0: {  	_ =	task.clear_ibuf [dreg:s6], $0x2FFFF;
	_ =	strace $0x9FFFFFFF  }
0xc1: {  	(tm) =	ssettm $0x7FFFFFFF  }
tec
execute0_lowered:
.L_overlay_start_1:
0x0: {  	(tag) =	ssettag $0x1  }
0x1: {  	s7 =	rddreg [dreg:$0x0]  }
0x2: {  	s1 =	srdreg.scid;
	s0 =	rddreg [dreg:$0x1]  }
0x3: {  	_ =	strace $0x80000047;
	s3 =	simm.s32 $0x1;
	s5 =	simm.s32 $0x2  }
0x4: {  	s9 =	simm.s32 $0x3;
	s11 =	simm.s32 $0x0;
	s2 =	sshll.u32 s1, $0x4  }
.Ltmp0:
0x5: {  	s1 =	stileid.u32;
	s4 =	sand.u32 $0x10, s2;
	(pc) =	sbr.rel .LBB2_1-.Ltmp0, $4  }
0x6: {  	p0 =	por $0x0, $0x0;
	[sflag:s3] =	ssyncpa.u1 $0x0;
	s4 =	sor.u32 s1, s4  }
0x7: {  	s6 =	sadd.s32 $0x200, s7;
	[sflag:s5] =	ssyncpa.u1 $0x0;
	s4 =	smul.u32 $0x820, s4  }
0x8: {  	s2 =	sadd.s32 $0xC3600, s7;
	s7 =	sadd.s32 $0x186C00, s7;
	[sflag:s9] =	ssyncpa.u1 $0x0  }
0x9: {  	vm0 =	vmmov $0xff;
	vm1 =	vcmask $0x3F20;
	s9 =	simm.s32 $0x0;
	s8 =	sadd.s32 $0x820, s4;
	s10 =	smov.u32 s4  }
.LBB2_6:
0xa: {  	[hbm:s15] =	stream.linear.scatter [tilespmem:s12], [sflag:$0x3], $0x400, $0x38;
	[tilespmem:$0x1A340] =	vst v63  }
.LBB2_7:
0xb: {  	p1 =	slt.u32 s9, $0x2;
	s11 =	sadd.s32 $0x1A0, s10  }
0xc: {  	s13 =	smov.u32 s4;
	s9 =	sadd.s32 $0x1, s9;
	p2 =	slt.s32 s11, s8  }
0xd: {  	s13 =	smov.u32 @p2 s11;
	p2 =	sne.s32 s9, $0x7  }
.Ltmp1:
0xe: {  	_ = 	snop;
	(pc) =	sbr.rel @!p2 .LBB2_8-.Ltmp1, $4  }
0xf: {  	s12 =	simm.s32 @!p1 $0x3  }
0x10: {  	_ =	swait.ge @!p1 [sflag:s12], $0xD000  }
0x11: {  	p0 =	por !p0, !p0;
	[sflag:s12] =	ssyncset.done @!p1 $0x0  }
0x12: {  	s11 =	smov.u32 s10;
	s10 =	smov.u32 s13;
	[sflag:s12] =	ssyncadd.s32 @!p1 $0xFFFF3000  }
.LBB2_1:
0x13: {  	p1 =	sgt.u32 s9, $0x4  }
0x14: {  	s12 =	sxor.u32 @!p1 $0xFFFFFFFF, s9  }
0x15: {  	s12 =	sand.u32 @!p1 $0x1, s12  }
0x16: {  	s12 =	smul.u32 @!p1 $0x680, s12  }
0x17: {  	s31 =	sadd.s32 $0xFFFFFFFF, s9;
	s13 =	sshrl.u32 @!p1 s10, $0x3  }
0x18: {  	s14 =	sand.u32 @!p1 $0x7, s10;
	s13 =	sadd.s32 @!p1 s6, s13;
	s12 =	sshrl.u32 @!p1 s12, $0x2  }
0x19: {  	[tilespmem:s12], [sflag:$0x2] =	stream.linear.gather @!p1 [hbm4b:s13+s14], $0x1A0, $0x38;
	[tilespmem:$0x1A340] =	vst v63  }
0x1a: {  	p1 =	sgt.u32 s31, $0x4  }
.Ltmp2:
0x1b: {  	_ = 	snop;
	(pc) =	sbr.rel @p1 .LBB2_7-.Ltmp2, $1  }
0x1c: {  	_ =	sdelay $0x3  }
0x1d: {  	s12 =	simm.s32 $0x1  }
0x1e: {  	s12 =	simm.s32 @!p0 $0x0  }
0x1f: {  	s13 =	smul.u32 $0x680, s12  }
0x20: {  	_ =	swait.ge [sflag:s5], $0x1A0  }
0x21: {  	[sflag:s5] =	ssyncset.done $0x0;
	s14 =	sshrl.u32 s13, $0x2  }
0x22: {  	[sflag:s5] =	ssyncadd.s32 $0xFFFFFE60;
	s13 =	sadd.s32 $0x0, s14  }
0x23: {  	v0 =	vld.msk [tilespmem:s13+$0x0 ss:$0x1], $0xffff;
	_ =	sdelay $0x4  }
0x24: {  	vm2 =	vgt.s32 v0, $0x0  }
0x25: {  	v0 =	vnsel vm2, $0x0, v0  }
0x26: {  	v0 =	vmin.u32 v0, $0xC34F  }
0x27: {  	v0 =	vshll.u32 v0, $0x4  }
0x28: {  	s12 =	smul.u32 $0x34000, s12;
	_ =	sdelay $0x1  }
0x29: {  	s12 =	sshrl.u32 s12, $0x2  }
0x2a: {  	s12 =	sor.u32 $0x340, s12  }
0x2b: {  	[tilespmem:s12], [sflag:$0x1] =	stream.indirect_vreg.gather [hbm:s2], $0x80, v0, vm0, $0x38;
	[tilespmem:$0x1A340] =	vst v63  }
0x2c: {  	s15 =	sadd.s32 $0x10, s14;
	s13 =	sadd.s32 $0x400, s12  }
0x2d: {  	[tilespmem:s13], [sflag:$0x1] =	stream.indirect_vreg.gather [hbm:s2], $0x80, v0, vm1, $0x38;
	[tilespmem:$0x1A340] =	vst v63  }
0x2e: {  	s16 =	simm.s32 $0x80;
	v0 =	vld.msk [tilespmem:s15+$0x0 ss:$0x1], $0xffff;
	s15 =	smov.u32 s12  }
.LBB2_3:
0x2f: {  	p1 =	sne.s32 s16, $0x640;
	_ =	sdelay $0x4  }
0x30: {  	vm2 =	vgt.s32 v0, $0x0  }
0x31: {  	v0 =	vnsel vm2, $0x0, v0  }
0x32: {  	v0 =	vmin.u32 v0, $0xC34F  }
0x33: {  	v0 =	vshll.u32 v0, $0x4;
	_ =	sdelay $0x3  }
.Ltmp3:
0x34: {  	s17 =	sshra.s32 s16, $0x2;
	s15 =	sadd.s32 $0x800, s15;
	(pc) =	sbr.rel @p1 .LBB2_3-.Ltmp3, $4  }
0x35: {  	[tilespmem:s15], [sflag:$0x1] =	stream.indirect_vreg.gather [hbm:s2], $0x80, v0, vm0, $0x38;
	[tilespmem:$0x1A340] =	vst v63  }
0x36: {  	s17 =	sadd.s32 s17, s14;
	s18 =	sadd.s32 $0x400, s15  }
0x37: {  	[tilespmem:s18], [sflag:$0x1] =	stream.indirect_vreg.gather [hbm:s2], $0x80, v0, vm1, $0x38;
	[tilespmem:$0x1A340] =	vst v63  }
0x38: {  	s16 =	sadd.s32 $0x40, s16;
	v0 =	vld.msk [tilespmem:s17+$0x0 ss:$0x1], $0xffff  }
0x39: {  	_ =	sdelay $0x3  }
0x3a: {  	vm2 =	vgt.s32 v0, $0x0  }
0x3b: {  	v0 =	vnsel vm2, $0x0, v0  }
0x3c: {  	v0 =	vmin.u32 v0, $0xC34F  }
0x3d: {  	v0 =	vshll.u32 v0, $0x4;
	_ =	sdelay $0x3  }
0x3e: {  	s14 =	sadd.s32 $0x800, s15  }
0x3f: {  	[tilespmem:s14], [sflag:$0x1] =	stream.indirect_vreg.gather [hbm:s2], $0x80, v0, vm0, $0x38;
	[tilespmem:$0x1A340] =	vst v63  }
0x40: {  	s14 =	sadd.s32 $0x400, s14  }
0x41: {  	[tilespmem:s14], [sflag:$0x1] =	stream.indirect_vreg.gather [hbm:s2], $0x80, v0, vm1, $0x38;
	[tilespmem:$0x1A340] =	vst v63  }
0x42: {  	s11 =	sshll.u32 s11, $0x4;
	_ =	swait.ge [sflag:s3], $0xD000  }
0x43: {  	s11 =	sadd.s32 s11, s7;
	[sflag:s3] =	ssyncset.done $0x0  }
0x44: {  	s15 =	sadd.s32 $0x0, s11;
	s14 =	simm.s32 $0x80;
	[sflag:s3] =	ssyncadd.s32 $0xFFFF3000  }
.LBB2_5:
0x45: {  	[hbm:s15] =	stream.linear.scatter [tilespmem:s12], [sflag:$0x3], $0x400, $0x38;
	[tilespmem:$0x1A340] =	vst v63  }
0x46: {  	s15 =	smov.u32 s14;
	s12 =	smov.u32 s13;
	p1 =	sne.s32 s14, $0x1980  }
.Ltmp4:
0x47: {  	s14 =	sadd.s32 $0x80, s14;
	(pc) =	sbr.rel @p1 .LBB2_5-.Ltmp4, $2  }
0x48: {  	_ =	sdelay $0x2  }
0x49: {  	s13 =	sadd.s32 $0x400, s13;
	s15 =	sadd.s32 s15, s11  }
.Ltmp5:
0x4a: {  	_ = 	snop;
	(pc) =	sbr.rel .LBB2_6-.Ltmp5, $1  }
0x4b: {  	_ =	sdelay $0x3  }
.LBB2_8:
0x4c: {  	_ =	sfence.sel $0x180000  }
0x4d: {  	s2 =	simm.s32 $0x2;
	[bflag:$0x0] =	sbarrier.arrive $0xFFFF  }
0x4e: {  	s30 =	simm.s32 $0x3;
	[sflag:s2] =	ssyncpa.u1 $0x1  }
0x4f: {  	s31 =	simm.s32 $0x1;
	[sflag:s30] =	ssyncpa.u1 $0x1  }
0x50: {  	[sflag:s31] =	ssyncpa.u1 $0x1  }
0x51: {  	p0 =	sne.s32 s1, $0x0;
	_ =	strace $0x90000047  }
0x52: {  	s0 =	sadd.s32 @!p0 $0x100000, s0;
	[bflag:$0x2] =	sbarrier.arrive $0xFFFF  }
0x53: {  	[sflag:s0] =	ssyncadd.tile.s32 @!p0 $0x1;
	_ =	shalt  }
.Lfunc_end2:
_tile_overlayer_lowered:
.L_overlay_start_2:
0x54: {  	(tag) =	ssettag $0x2  }
0x55: {  	s0 =	rddreg [dreg:$0x0];
	s2 =	stileid.u32  }
0x56: {  	s1 =	rddreg [dreg:$0x1];
	p0 =	sne.s32 s2, $0x0  }
0x57: {  	s3 =	rddreg [dreg:$0x2];
	[bflag:$0x3] =	sbarrier.arrive $0xFFFF;
	s2 =	simm.s32 @!p0 $0x1C01  }
0x58: {  	[timem:s3], [sflag:s2] =	dma.local @!p0 [hbm:s0], s1  }
0x59: {  	s0 =	simm.s32 @!p0 $0x1  }
0x5a: {  	_ =	swait.ge @!p0 [sflag:s0], s1  }
0x5b: {  	s1 =	ssub.s32 @!p0 $0x0, s1;
	[sflag:s0] =	ssyncset.done @!p0 $0x0  }
0x5c: {  	[sflag:s0] =	ssyncadd.s32 @!p0 s1  }
0x5d: {  	[bflag:$0x3] =	sbarrier.arrive $0xFFFF  }
0x5e: {  	_ =	shalt  }

</sc_bundles>
